<compile_context>
chip_gen: v7x
topology: tpu7x:2x2x1
jax: 0.10.2.dev20260603
libtpu: 0.0.44.dev20260713+nightly
codegen_flags: <defaults>
</compile_context>

<pallas_src>
import functools

import jax
import jax.numpy as jnp
from jax import lax
from jax.experimental import pallas as pl
from jax.experimental.pallas import tpu as pltpu
from jax.experimental.pallas import tpu_sc as plsc

MAXP = 4096
DEMB = 64
NW = 32
LANES = 16


def kernel(input, embedding):
    S, W = input.shape
    k = min((S - 1) // 2, MAXP)
    flat_w = S * W // NW
    GW = 512
    nt = flat_w // GW

    mesh = plsc.VectorSubcoreMesh(core_axis_name="c", subcore_axis_name="s")

    @functools.partial(
        pl.kernel,
        mesh=mesh,
        out_type=jax.ShapeDtypeStruct((S * W, 2 * DEMB), jnp.float32),
        scratch_types=[
            pltpu.VMEM((flat_w,), jnp.int32),
            pltpu.VMEM((2, GW, DEMB), jnp.float32),
            pltpu.SemaphoreType.DMA,
            pltpu.SemaphoreType.DMA,
            pltpu.SemaphoreType.DMA,
            pltpu.SemaphoreType.DMA,
        ],
        compiler_params=pltpu.CompilerParams(use_tc_tiling_on_sc=False),
    )
    def body(inp_hbm, emb_hbm, out_hbm, idx_v, rows_v, g0, g1, w0, w1):
        nc = 2
        wid = lax.axis_index("s") * nc + lax.axis_index("c")
        f0 = wid * flat_w

        pltpu.sync_copy(inp_hbm.at[pl.ds(f0, flat_w)], idx_v)

        def transform(t):
            def fix(c, carry):
                v = idx_v[pl.ds(c * LANES, LANES)]
                v = jnp.maximum(jnp.clip(v, -MAXP, MAXP) + k, 0)
                idx_v[pl.ds(c * LANES, LANES)] = v
                return carry

            lax.fori_loop(t * GW // LANES, (t + 1) * GW // LANES, fix, 0)

        def fire_gather(t, p, sem):
            pltpu.async_copy(
                emb_hbm.at[idx_v.at[pl.ds(t * GW, GW)]],
                rows_v.at[p], sem,
            )

        def drain_gather(sem):
            pltpu.make_async_copy(
                emb_hbm.at[idx_v.at[pl.ds(0, GW)]],
                rows_v.at[0], sem,
            ).wait()

        def wait_write(sem):
            pltpu.make_async_copy(
                rows_v.at[0],
                out_hbm.at[pl.ds(0, GW), pl.ds(0, DEMB)], sem
            ).wait()

        transform(0)
        fire_gather(0, 0, g0)

        def step2(t2, carry):
            for half, pb, gs_cur, gs_nxt, ws_cur, ws_nxt in (
                (0, 0, g0, g1, w0, w1),
                (1, 1, g1, g0, w1, w0),
            ):
                t = 2 * t2 + half

                @pl.when(t + 1 < nt)
                def _():
                    transform(t + 1)

                @pl.when(t >= 1)
                def _():
                    wait_write(ws_nxt)

                @pl.when(t + 1 < nt)
                def _():
                    fire_gather(t + 1, 1 - pb, gs_nxt)

                drain_gather(gs_cur)

                pltpu.async_copy(
                    rows_v.at[pb],
                    out_hbm.at[pl.ds(f0 + t * GW, GW), pl.ds(0, DEMB)],
                    ws_cur,
                )
            return carry

        lax.fori_loop(0, nt // 2, step2, 0)
        wait_write(w1)

    out = body(input.astype(jnp.int32).reshape(S * W), embedding)
    return out.reshape(S, W, 2 * DEMB)[:, :, :DEMB]

# --- scband reference (transcript-rebuilt; emitter-appended) ---
"""Pipeline reference for scband-learnable-postion-embedding-81896436400384 (READ-ONLY COPY).

The authoritative reference and input builder live on the scoring server;
editing this copy changes nothing except your own understanding.
"""

import jax, jax.numpy as jnp
import numpy as np

MAX_POS = 4096
DEMB = 64

def setup_inputs(seed: int = 0) -> dict:
    key = jax.random.key(seed)
    k1, k2 = jax.random.split(key)
    # relative position indices; values in [0, MAX_POS) so pos + k stays in-range
    inp = jax.random.randint(k1, (8192, 32), 0, MAX_POS, dtype=jnp.int64 if jax.config.read('jax_enable_x64') else jnp.int32)
    # learned embedding table: nn.Embedding(2*max_pos + 1, demb)
    embedding = jax.random.normal(k2, (2 * MAX_POS + 1, DEMB), dtype=jnp.float32) * 0.02
    return {"input": inp, "embedding": embedding}

def reference(input, embedding):
    # pos = torch.clamp(input, -max_pos, max_pos)
    pos = jnp.clip(input, -MAX_POS, MAX_POS)
    # k = min((pos.size(0) - 1) // 2, max_pos) -- static, depends only on shape
    k = min((pos.shape[0] - 1) // 2, MAX_POS)
    # return self.embedding(pos + k)
    return jnp.take(embedding, pos + k, axis=0)

if __name__ == "__main__":
    import jax
    _d = setup_inputs()
    print(jax.jit(kernel)(*tuple(_d.values())))

</pallas_src>

<mosaic_0001>
#map = affine_map<(d0, d1) -> (0)>
#map1 = affine_map<(d0, d1) -> (0, 0)>
module attributes {stable_mosaic.version = 14 : i64} {
  func.func @body(%arg0: i32, %arg1: i32, %arg2: memref<262144xi32, #tpu.memory_space<hbm>>, %arg3: memref<8193x64xf32, #tpu.memory_space<hbm>>, %arg4: memref<262144x128xf32, #tpu.memory_space<hbm>>, %arg5: memref<8192xi32, #tpu.memory_space<vmem>>, %arg6: memref<2x512x64xf32, #tpu.memory_space<vmem>>, %arg7: memref<!tpu.dma_semaphore, #tpu.memory_space<semaphore_mem>>, %arg8: memref<!tpu.dma_semaphore, #tpu.memory_space<semaphore_mem>>, %arg9: memref<!tpu.dma_semaphore, #tpu.memory_space<semaphore_mem>>, %arg10: memref<!tpu.dma_semaphore, #tpu.memory_space<semaphore_mem>>) attributes {dimension_semantics = [#tpu.dimension_semantics<core_parallel>, #tpu.dimension_semantics<subcore_parallel>], iteration_bounds = array<i64: 2, 16>, scalar_prefetch = 0 : i64, scratch_operands = 6 : i64, tpu.core_type = #tpu.core_type<sc_vector_subcore>, window_params = [{transform_indices = #map}, {transform_indices = #map1}, {transform_indices = #map1}]} {
    %mul3A = arith.constant 2 : i32
    %mul3A_0 = arith.muli %arg1, %mul3A : i32
    %add3A = arith.addi %mul3A_0, %arg0 : i32
    %mul3A_1 = arith.constant 8192 : i32
    %mul3A_2 = arith.muli %add3A, %mul3A_1 : i32
    "tpu.region"() ({
      %run_scoped3A = tpu.sem_alloc : memref<!tpu.dma_semaphore, #tpu.memory_space<semaphore_mem>>
      %dma_start3A_37 = tpu.memref_slice %arg2[%mul3A_2] : memref<262144xi32, #tpu.memory_space<hbm>> -> memref<8192xi32, #tpu.memory_space<hbm>>
      %dma_start3A_38 = tpu.memref_slice %arg2[%mul3A_2] : memref<262144xi32, #tpu.memory_space<hbm>> -> memref<8192xi32, #tpu.memory_space<hbm>>
      tpu.enqueue_dma source(%dma_start3A_38 : memref<8192xi32, #tpu.memory_space<hbm>>) target(%arg5 : memref<8192xi32, #tpu.memory_space<vmem>>) target_semaphore(%run_scoped3A : memref<!tpu.dma_semaphore, #tpu.memory_space<semaphore_mem>>)
      %dma_wait3A_39 = tpu.memref_slice %arg2[%mul3A_2] : memref<262144xi32, #tpu.memory_space<hbm>> -> memref<8192xi32, #tpu.memory_space<hbm>>
      %dma_wait3A_40 = tpu.memref_slice %arg2[%mul3A_2] : memref<262144xi32, #tpu.memory_space<hbm>> -> memref<8192xi32, #tpu.memory_space<hbm>>
      tpu.wait_dma2 semaphore(%run_scoped3A : memref<!tpu.dma_semaphore, #tpu.memory_space<semaphore_mem>>) src(%dma_wait3A_40 : memref<8192xi32, #tpu.memory_space<hbm>>) dst(%arg5 : memref<8192xi32, #tpu.memory_space<vmem>>)
      tpu.yield
    }) : () -> ()
    %scan3A = arith.constant 0 : i32
    %scan3A_3 = arith.constant 0 : i32
    %scan3A_4 = arith.constant 32 : i32
    %scan3A_5 = arith.addi %scan3A_3, %scan3A_4 : i32
    %scan3A_6 = arith.constant 1 : i32
    scf.for %scan3A_37 = %scan3A_3 to %scan3A_5 step %scan3A_6  : i32 {
      %mul3A_38 = arith.constant 16 : i32
      %mul3A_39 = arith.muli %scan3A_37, %mul3A_38 : i32
      %get3A = arith.index_cast %mul3A_39 : i32 to index
      %get3A_40 = tpu.vector_load %arg5[%get3A] {strides = array<i32>} : memref<8192xi32, #tpu.memory_space<vmem>>, vector<16xi32>,
      %get3A_41 = vector.shape_cast %get3A_40 : vector<16xi32> to vector<16xi32>
      %jit3A = arith.constant -4096 : i32
      %jit3A_42 = arith.constant 4096 : i32
      %max3A = vector.broadcast %jit3A : i32 to vector<16xi32>
      %max3A_43 = arith.maxsi %max3A, %get3A_41 : vector<16xi32>
      %min3A = vector.broadcast %jit3A_42 : i32 to vector<16xi32>
      %min3A_44 = arith.minsi %min3A, %max3A_43 : vector<16xi32>
      %add3A_45 = arith.constant 4095 : i32
      %add3A_46 = vector.broadcast %add3A_45 : i32 to vector<16xi32>
      %add3A_47 = arith.addi %min3A_44, %add3A_46 : vector<16xi32>
      %max3A_48 = arith.constant 0 : i32
      %max3A_49 = vector.broadcast %max3A_48 : i32 to vector<16xi32>
      %max3A_50 = arith.maxsi %add3A_47, %max3A_49 : vector<16xi32>
      %mul3A_51 = arith.constant 16 : i32
      %mul3A_52 = arith.muli %scan3A_37, %mul3A_51 : i32
      %swap3A = arith.index_cast %mul3A_52 : i32 to index
      %swap3A_53 = tpu.vector_load %arg5[%swap3A] {strides = array<i32>} : memref<8192xi32, #tpu.memory_space<vmem>>, vector<16xi32>,
      %swap3A_54 = vector.shape_cast %swap3A_53 : vector<16xi32> to vector<16xi32>
      %swap3A_55 = vector.shape_cast %max3A_50 : vector<16xi32> to vector<16xi32>
      tpu.vector_store %arg5[%swap3A], %swap3A_55 {strides = array<i32>} : memref<8192xi32, #tpu.memory_space<vmem>>, vector<16xi32>,
    }
    %scan3A_7 = arith.constant 32 : i32
    %dma_start3A = arith.constant 0 : i32
    %dma_start3A_8 = arith.constant 0 : i32
    %dma_start3A_9 = arith.constant 0 : i32
    %dma_start3A_10 = tpu.memref_slice %arg6[%dma_start3A, %dma_start3A_8, %dma_start3A_9] : memref<2x512x64xf32, #tpu.memory_space<vmem>> -> memref<1x512x64xf32, #tpu.memory_space<vmem>>
    %dma_start3A_11 = tpu.memref_squeeze %dma_start3A_10 : memref<1x512x64xf32, #tpu.memory_space<vmem>> -> memref<512x64xf32, #tpu.memory_space<vmem>>
    %dma_start3A_12 = arith.constant 0 : i32
    %dma_start3A_13 = tpu.memref_slice %arg5[%dma_start3A_12] : memref<8192xi32, #tpu.memory_space<vmem>> -> memref<512xi32, #tpu.memory_space<vmem>>
    %dma_start3A_14 = arith.constant 0 : i32
    %dma_start3A_15 = arith.constant 0 : i32
    %dma_start3A_16 = tpu.memref_slice %arg3[%dma_start3A_14, %dma_start3A_15] : memref<8193x64xf32, #tpu.memory_space<hbm>> -> memref<8193x64xf32, #tpu.memory_space<hbm>>
    tpu.enqueue_indirect_dma source(%dma_start3A_16 : memref<8193x64xf32, #tpu.memory_space<hbm>>) target(%dma_start3A_11 : memref<512x64xf32, #tpu.memory_space<vmem>>) offsets(%dma_start3A_13 : memref<512xi32, #tpu.memory_space<vmem>>) semaphore(%arg7 : memref<!tpu.dma_semaphore, #tpu.memory_space<semaphore_mem>>)
    %scan3A_17 = arith.constant 0 : i32
    %scan3A_18 = arith.constant 0 : i32
    %scan3A_19 = arith.constant 8 : i32
    %scan3A_20 = arith.addi %scan3A_18, %scan3A_19 : i32
    %scan3A_21 = arith.constant 1 : i32
    scf.for %scan3A_37 = %scan3A_18 to %scan3A_20 step %scan3A_21  : i32 {
      %mul3A_38 = arith.constant 2 : i32
      %mul3A_39 = arith.muli %mul3A_38, %scan3A_37 : i32
      %add3A_40 = arith.constant 0 : i32
      %add3A_41 = arith.addi %mul3A_39, %add3A_40 : i32
      %add3A_42 = arith.constant 1 : i32
      %add3A_43 = arith.addi %add3A_41, %add3A_42 : i32
      %lt3A = arith.constant 16 : i32
      %lt3A_44 = arith.cmpi slt, %add3A_43, %lt3A : i32
      %convert_element_type3A = arith.extui %lt3A_44 : i1 to i32
      %cond3A = arith.constant 0 : i32
      %cond3A_45 = arith.cmpi ne, %convert_element_type3A, %cond3A : i32
      scf.if %cond3A_45 {
        %add3A_132 = arith.constant 1 : i32
        %add3A_133 = arith.addi %add3A_41, %add3A_132 : i32
        %mul3A_134 = arith.constant 512 : i32
        %mul3A_135 = arith.muli %add3A_133, %mul3A_134 : i32
        %jit3A = arith.constant 16 : i32
        %div3A = arith.divsi %mul3A_135, %jit3A : i32
        %sign3A = arith.constant 0 : i32
        %sign3A_136 = arith.cmpi sgt, %mul3A_135, %sign3A : i32
        %sign3A_137 = arith.extui %sign3A_136 : i1 to i32
        %sign3A_138 = arith.constant 0 : i32
        %sign3A_139 = arith.cmpi slt, %mul3A_135, %sign3A_138 : i32
        %sign3A_140 = arith.extui %sign3A_139 : i1 to i32
        %sign3A_141 = arith.subi %sign3A_137, %sign3A_140 : i32
        %sign3A_142 = arith.constant 0 : i32
        %sign3A_143 = arith.cmpi sgt, %jit3A, %sign3A_142 : i32
        %sign3A_144 = arith.extui %sign3A_143 : i1 to i32
        %sign3A_145 = arith.constant 0 : i32
        %sign3A_146 = arith.cmpi slt, %jit3A, %sign3A_145 : i32
        %sign3A_147 = arith.extui %sign3A_146 : i1 to i32
        %sign3A_148 = arith.subi %sign3A_144, %sign3A_147 : i32
        %ne3A = arith.cmpi ne, %sign3A_141, %sign3A_148 : i32
        %rem3A = arith.remsi %mul3A_135, %jit3A : i32
        %ne3A_149 = arith.constant 0 : i32
        %ne3A_150 = arith.cmpi ne, %rem3A, %ne3A_149 : i32
        %and3A = arith.andi %ne3A, %ne3A_150 : i1
        %sub3A = arith.constant 1 : i32
        %sub3A_151 = arith.subi %div3A, %sub3A : i32
        %select_n3A = arith.select %and3A, %sub3A_151, %div3A : i32
        %add3A_152 = arith.constant 1 : i32
        %add3A_153 = arith.addi %add3A_133, %add3A_152 : i32
        %mul3A_154 = arith.constant 512 : i32
        %mul3A_155 = arith.muli %add3A_153, %mul3A_154 : i32
        %jit3A_156 = arith.constant 16 : i32
        %div3A_157 = arith.divsi %mul3A_155, %jit3A_156 : i32
        %sign3A_158 = arith.constant 0 : i32
        %sign3A_159 = arith.cmpi sgt, %mul3A_155, %sign3A_158 : i32
        %sign3A_160 = arith.extui %sign3A_159 : i1 to i32
        %sign3A_161 = arith.constant 0 : i32
        %sign3A_162 = arith.cmpi slt, %mul3A_155, %sign3A_161 : i32
        %sign3A_163 = arith.extui %sign3A_162 : i1 to i32
        %sign3A_164 = arith.subi %sign3A_160, %sign3A_163 : i32
        %sign3A_165 = arith.constant 0 : i32
        %sign3A_166 = arith.cmpi sgt, %jit3A_156, %sign3A_165 : i32
        %sign3A_167 = arith.extui %sign3A_166 : i1 to i32
        %sign3A_168 = arith.constant 0 : i32
        %sign3A_169 = arith.cmpi slt, %jit3A_156, %sign3A_168 : i32
        %sign3A_170 = arith.extui %sign3A_169 : i1 to i32
        %sign3A_171 = arith.subi %sign3A_167, %sign3A_170 : i32
        %ne3A_172 = arith.cmpi ne, %sign3A_164, %sign3A_171 : i32
        %rem3A_173 = arith.remsi %mul3A_155, %jit3A_156 : i32
        %ne3A_174 = arith.constant 0 : i32
        %ne3A_175 = arith.cmpi ne, %rem3A_173, %ne3A_174 : i32
        %and3A_176 = arith.andi %ne3A_172, %ne3A_175 : i1
        %sub3A_177 = arith.constant 1 : i32
        %sub3A_178 = arith.subi %div3A_157, %sub3A_177 : i32
        %select_n3A_179 = arith.select %and3A_176, %sub3A_178, %div3A_157 : i32
        %while3A = arith.constant 0 : i32
        %while3A_180 = arith.subi %select_n3A_179, %select_n3A : i32
        %while3A_181 = arith.addi %select_n3A, %while3A_180 : i32
        %while3A_182 = arith.constant 1 : i32
        %while3A_183 = arith.divsi %while3A_180, %while3A_182 : i32
        %while3A_184 = arith.muli %while3A_183, %while3A_182 : i32
        %while3A_185 = arith.addi %select_n3A, %while3A_184 : i32
        %while3A_186 = arith.constant 1 : i32
        scf.for %while3A_188 = %select_n3A to %while3A_185 step %while3A_186  : i32 {
          %mul3A_189 = arith.constant 16 : i32
          %mul3A_190 = arith.muli %while3A_188, %mul3A_189 : i32
          %get3A = arith.index_cast %mul3A_190 : i32 to index
          %get3A_191 = tpu.vector_load %arg5[%get3A] {strides = array<i32>} : memref<8192xi32, #tpu.memory_space<vmem>>, vector<16xi32>,
          %get3A_192 = vector.shape_cast %get3A_191 : vector<16xi32> to vector<16xi32>
          %jit3A_193 = arith.constant -4096 : i32
          %jit3A_194 = arith.constant 4096 : i32
          %max3A = vector.broadcast %jit3A_193 : i32 to vector<16xi32>
          %max3A_195 = arith.maxsi %max3A, %get3A_192 : vector<16xi32>
          %min3A = vector.broadcast %jit3A_194 : i32 to vector<16xi32>
          %min3A_196 = arith.minsi %min3A, %max3A_195 : vector<16xi32>
          %add3A_197 = arith.constant 4095 : i32
          %add3A_198 = vector.broadcast %add3A_197 : i32 to vector<16xi32>
          %add3A_199 = arith.addi %min3A_196, %add3A_198 : vector<16xi32>
          %max3A_200 = arith.constant 0 : i32
          %max3A_201 = vector.broadcast %max3A_200 : i32 to vector<16xi32>
          %max3A_202 = arith.maxsi %add3A_199, %max3A_201 : vector<16xi32>
          %mul3A_203 = arith.constant 16 : i32
          %mul3A_204 = arith.muli %while3A_188, %mul3A_203 : i32
          %swap3A = arith.index_cast %mul3A_204 : i32 to index
          %swap3A_205 = tpu.vector_load %arg5[%swap3A] {strides = array<i32>} : memref<8192xi32, #tpu.memory_space<vmem>>, vector<16xi32>,
          %swap3A_206 = vector.shape_cast %swap3A_205 : vector<16xi32> to vector<16xi32>
          %swap3A_207 = vector.shape_cast %max3A_202 : vector<16xi32> to vector<16xi32>
          tpu.vector_store %arg5[%swap3A], %swap3A_207 {strides = array<i32>} : memref<8192xi32, #tpu.memory_space<vmem>>, vector<16xi32>,
        }
        %while3A_187 = arith.constant 1 : i32
        scf.for %while3A_188 = %while3A_185 to %while3A_181 step %while3A_187  : i32 {
          %mul3A_189 = arith.constant 16 : i32
          %mul3A_190 = arith.muli %while3A_188, %mul3A_189 : i32
          %get3A = arith.index_cast %mul3A_190 : i32 to index
          %get3A_191 = tpu.vector_load %arg5[%get3A] {strides = array<i32>} : memref<8192xi32, #tpu.memory_space<vmem>>, vector<16xi32>,
          %get3A_192 = vector.shape_cast %get3A_191 : vector<16xi32> to vector<16xi32>
          %jit3A_193 = arith.constant -4096 : i32
          %jit3A_194 = arith.constant 4096 : i32
          %max3A = vector.broadcast %jit3A_193 : i32 to vector<16xi32>
          %max3A_195 = arith.maxsi %max3A, %get3A_192 : vector<16xi32>
          %min3A = vector.broadcast %jit3A_194 : i32 to vector<16xi32>
          %min3A_196 = arith.minsi %min3A, %max3A_195 : vector<16xi32>
          %add3A_197 = arith.constant 4095 : i32
          %add3A_198 = vector.broadcast %add3A_197 : i32 to vector<16xi32>
          %add3A_199 = arith.addi %min3A_196, %add3A_198 : vector<16xi32>
          %max3A_200 = arith.constant 0 : i32
          %max3A_201 = vector.broadcast %max3A_200 : i32 to vector<16xi32>
          %max3A_202 = arith.maxsi %add3A_199, %max3A_201 : vector<16xi32>
          %mul3A_203 = arith.constant 16 : i32
          %mul3A_204 = arith.muli %while3A_188, %mul3A_203 : i32
          %swap3A = arith.index_cast %mul3A_204 : i32 to index
          %swap3A_205 = tpu.vector_load %arg5[%swap3A] {strides = array<i32>} : memref<8192xi32, #tpu.memory_space<vmem>>, vector<16xi32>,
          %swap3A_206 = vector.shape_cast %swap3A_205 : vector<16xi32> to vector<16xi32>
          %swap3A_207 = vector.shape_cast %max3A_202 : vector<16xi32> to vector<16xi32>
          tpu.vector_store %arg5[%swap3A], %swap3A_207 {strides = array<i32>} : memref<8192xi32, #tpu.memory_space<vmem>>, vector<16xi32>,
        }
      } else {
      }
      %ge3A = arith.constant 1 : i32
      %ge3A_46 = arith.cmpi sge, %add3A_41, %ge3A : i32
      %convert_element_type3A_47 = arith.extui %ge3A_46 : i1 to i32
      %cond3A_48 = arith.constant 0 : i32
      %cond3A_49 = arith.cmpi ne, %convert_element_type3A_47, %cond3A_48 : i32
      scf.if %cond3A_49 {
        %dma_wait3A_132 = arith.constant 0 : i32
        %dma_wait3A_133 = arith.constant 0 : i32
        %dma_wait3A_134 = arith.constant 0 : i32
        %dma_wait3A_135 = tpu.memref_slice %arg6[%dma_wait3A_132, %dma_wait3A_133, %dma_wait3A_134] : memref<2x512x64xf32, #tpu.memory_space<vmem>> -> memref<1x512x64xf32, #tpu.memory_space<vmem>>
        %dma_wait3A_136 = tpu.memref_squeeze %dma_wait3A_135 : memref<1x512x64xf32, #tpu.memory_space<vmem>> -> memref<512x64xf32, #tpu.memory_space<vmem>>
        %dma_wait3A_137 = arith.constant 0 : i32
        %dma_wait3A_138 = arith.constant 0 : i32
        %dma_wait3A_139 = tpu.memref_slice %arg4[%dma_wait3A_137, %dma_wait3A_138] : memref<262144x128xf32, #tpu.memory_space<hbm>> -> memref<512x64xf32, #tpu.memory_space<hbm>>
        %dma_wait3A_140 = arith.constant 0 : i32
        %dma_wait3A_141 = arith.constant 0 : i32
        %dma_wait3A_142 = tpu.memref_slice %arg4[%dma_wait3A_140, %dma_wait3A_141] : memref<262144x128xf32, #tpu.memory_space<hbm>> -> memref<512x64xf32, #tpu.memory_space<hbm>>
        %dma_wait3A_143 = arith.constant 0 : i32
        %dma_wait3A_144 = arith.constant 0 : i32
        %dma_wait3A_145 = tpu.memref_slice %arg6[%dma_wait3A_132, %dma_wait3A_143, %dma_wait3A_144] : memref<2x512x64xf32, #tpu.memory_space<vmem>> -> memref<1x512x64xf32, #tpu.memory_space<vmem>>
        %dma_wait3A_146 = tpu.memref_squeeze %dma_wait3A_145 : memref<1x512x64xf32, #tpu.memory_space<vmem>> -> memref<512x64xf32, #tpu.memory_space<vmem>>
        tpu.wait_dma2 semaphore(%arg10 : memref<!tpu.dma_semaphore, #tpu.memory_space<semaphore_mem>>) src(%dma_wait3A_146 : memref<512x64xf32, #tpu.memory_space<vmem>>) dst(%dma_wait3A_142 : memref<512x64xf32, #tpu.memory_space<hbm>>)
      } else {
      }
      %add3A_50 = arith.constant 1 : i32
      %add3A_51 = arith.addi %add3A_41, %add3A_50 : i32
      %lt3A_52 = arith.constant 16 : i32
      %lt3A_53 = arith.cmpi slt, %add3A_51, %lt3A_52 : i32
      %convert_element_type3A_54 = arith.extui %lt3A_53 : i1 to i32
      %cond3A_55 = arith.constant 0 : i32
      %cond3A_56 = arith.cmpi ne, %convert_element_type3A_54, %cond3A_55 : i32
      scf.if %cond3A_56 {
        %add3A_132 = arith.constant 1 : i32
        %add3A_133 = arith.addi %add3A_41, %add3A_132 : i32
        %mul3A_134 = arith.constant 512 : i32
        %mul3A_135 = arith.muli %add3A_133, %mul3A_134 : i32
        %dma_start3A_136 = arith.constant 1 : i32
        %dma_start3A_137 = arith.constant 0 : i32
        %dma_start3A_138 = arith.constant 0 : i32
        %dma_start3A_139 = tpu.memref_slice %arg6[%dma_start3A_136, %dma_start3A_137, %dma_start3A_138] : memref<2x512x64xf32, #tpu.memory_space<vmem>> -> memref<1x512x64xf32, #tpu.memory_space<vmem>>
        %dma_start3A_140 = tpu.memref_squeeze %dma_start3A_139 : memref<1x512x64xf32, #tpu.memory_space<vmem>> -> memref<512x64xf32, #tpu.memory_space<vmem>>
        %dma_start3A_141 = tpu.memref_slice %arg5[%mul3A_135] : memref<8192xi32, #tpu.memory_space<vmem>> -> memref<512xi32, #tpu.memory_space<vmem>>
        %dma_start3A_142 = arith.constant 0 : i32
        %dma_start3A_143 = arith.constant 0 : i32
        %dma_start3A_144 = tpu.memref_slice %arg3[%dma_start3A_142, %dma_start3A_143] : memref<8193x64xf32, #tpu.memory_space<hbm>> -> memref<8193x64xf32, #tpu.memory_space<hbm>>
        tpu.enqueue_indirect_dma source(%dma_start3A_144 : memref<8193x64xf32, #tpu.memory_space<hbm>>) target(%dma_start3A_140 : memref<512x64xf32, #tpu.memory_space<vmem>>) offsets(%dma_start3A_141 : memref<512xi32, #tpu.memory_space<vmem>>) semaphore(%arg8 : memref<!tpu.dma_semaphore, #tpu.memory_space<semaphore_mem>>)
      } else {
      }
      %dma_wait3A_57 = arith.constant 0 : i32
      %dma_wait3A_58 = arith.constant 0 : i32
      %dma_wait3A_59 = arith.constant 0 : i32
      %dma_wait3A_60 = tpu.memref_slice %arg6[%dma_wait3A_57, %dma_wait3A_58, %dma_wait3A_59] : memref<2x512x64xf32, #tpu.memory_space<vmem>> -> memref<1x512x64xf32, #tpu.memory_space<vmem>>
      %dma_wait3A_61 = tpu.memref_squeeze %dma_wait3A_60 : memref<1x512x64xf32, #tpu.memory_space<vmem>> -> memref<512x64xf32, #tpu.memory_space<vmem>>
      %dma_wait3A_62 = arith.constant 0 : i32
      %dma_wait3A_63 = tpu.memref_slice %arg5[%dma_wait3A_62] : memref<8192xi32, #tpu.memory_space<vmem>> -> memref<512xi32, #tpu.memory_space<vmem>>
      %dma_wait3A_64 = arith.constant 0 : i32
      %dma_wait3A_65 = arith.constant 0 : i32
      %dma_wait3A_66 = tpu.memref_slice %arg3[%dma_wait3A_64, %dma_wait3A_65] : memref<8193x64xf32, #tpu.memory_space<hbm>> -> memref<8193x64xf32, #tpu.memory_space<hbm>>
      tpu.wait_indirect_dma semaphore(%arg7 : memref<!tpu.dma_semaphore, #tpu.memory_space<semaphore_mem>>) src(%dma_wait3A_66 : memref<8193x64xf32, #tpu.memory_space<hbm>>) dst(%dma_wait3A_61 : memref<512x64xf32, #tpu.memory_space<vmem>>)
      %mul3A_67 = arith.constant 512 : i32
      %mul3A_68 = arith.muli %add3A_41, %mul3A_67 : i32
      %add3A_69 = arith.addi %mul3A_2, %mul3A_68 : i32
      %dma_start3A_70 = arith.constant 0 : i32
      %dma_start3A_71 = arith.constant 0 : i32
      %dma_start3A_72 = arith.constant 0 : i32
      %dma_start3A_73 = tpu.memref_slice %arg6[%dma_start3A_70, %dma_start3A_71, %dma_start3A_72] : memref<2x512x64xf32, #tpu.memory_space<vmem>> -> memref<1x512x64xf32, #tpu.memory_space<vmem>>
      %dma_start3A_74 = tpu.memref_squeeze %dma_start3A_73 : memref<1x512x64xf32, #tpu.memory_space<vmem>> -> memref<512x64xf32, #tpu.memory_space<vmem>>
      %dma_start3A_75 = arith.constant 0 : i32
      %dma_start3A_76 = tpu.memref_slice %arg4[%add3A_69, %dma_start3A_75] : memref<262144x128xf32, #tpu.memory_space<hbm>> -> memref<512x64xf32, #tpu.memory_space<hbm>>
      %dma_start3A_77 = arith.constant 0 : i32
      %dma_start3A_78 = tpu.memref_slice %arg4[%add3A_69, %dma_start3A_77] : memref<262144x128xf32, #tpu.memory_space<hbm>> -> memref<512x64xf32, #tpu.memory_space<hbm>>
      %dma_start3A_79 = arith.constant 0 : i32
      %dma_start3A_80 = arith.constant 0 : i32
      %dma_start3A_81 = tpu.memref_slice %arg6[%dma_start3A_70, %dma_start3A_79, %dma_start3A_80] : memref<2x512x64xf32, #tpu.memory_space<vmem>> -> memref<1x512x64xf32, #tpu.memory_space<vmem>>
      %dma_start3A_82 = tpu.memref_squeeze %dma_start3A_81 : memref<1x512x64xf32, #tpu.memory_space<vmem>> -> memref<512x64xf32, #tpu.memory_space<vmem>>
      tpu.enqueue_dma source(%dma_start3A_82 : memref<512x64xf32, #tpu.memory_space<vmem>>) target(%dma_start3A_78 : memref<512x64xf32, #tpu.memory_space<hbm>>) target_semaphore(%arg9 : memref<!tpu.dma_semaphore, #tpu.memory_space<semaphore_mem>>)
      %mul3A_83 = arith.constant 2 : i32
      %mul3A_84 = arith.muli %mul3A_83, %scan3A_37 : i32
      %add3A_85 = arith.constant 1 : i32
      %add3A_86 = arith.addi %mul3A_84, %add3A_85 : i32
      %add3A_87 = arith.constant 1 : i32
      %add3A_88 = arith.addi %add3A_86, %add3A_87 : i32
      %lt3A_89 = arith.constant 16 : i32
      %lt3A_90 = arith.cmpi slt, %add3A_88, %lt3A_89 : i32
      %convert_element_type3A_91 = arith.extui %lt3A_90 : i1 to i32
      %cond3A_92 = arith.constant 0 : i32
      %cond3A_93 = arith.cmpi ne, %convert_element_type3A_91, %cond3A_92 : i32
      scf.if %cond3A_93 {
        %add3A_132 = arith.constant 1 : i32
        %add3A_133 = arith.addi %add3A_86, %add3A_132 : i32
        %mul3A_134 = arith.constant 512 : i32
        %mul3A_135 = arith.muli %add3A_133, %mul3A_134 : i32
        %jit3A = arith.constant 16 : i32
        %div3A = arith.divsi %mul3A_135, %jit3A : i32
        %sign3A = arith.constant 0 : i32
        %sign3A_136 = arith.cmpi sgt, %mul3A_135, %sign3A : i32
        %sign3A_137 = arith.extui %sign3A_136 : i1 to i32
        %sign3A_138 = arith.constant 0 : i32
        %sign3A_139 = arith.cmpi slt, %mul3A_135, %sign3A_138 : i32
        %sign3A_140 = arith.extui %sign3A_139 : i1 to i32
        %sign3A_141 = arith.subi %sign3A_137, %sign3A_140 : i32
        %sign3A_142 = arith.constant 0 : i32
        %sign3A_143 = arith.cmpi sgt, %jit3A, %sign3A_142 : i32
        %sign3A_144 = arith.extui %sign3A_143 : i1 to i32
        %sign3A_145 = arith.constant 0 : i32
        %sign3A_146 = arith.cmpi slt, %jit3A, %sign3A_145 : i32
        %sign3A_147 = arith.extui %sign3A_146 : i1 to i32
        %sign3A_148 = arith.subi %sign3A_144, %sign3A_147 : i32
        %ne3A = arith.cmpi ne, %sign3A_141, %sign3A_148 : i32
        %rem3A = arith.remsi %mul3A_135, %jit3A : i32
        %ne3A_149 = arith.constant 0 : i32
        %ne3A_150 = arith.cmpi ne, %rem3A, %ne3A_149 : i32
        %and3A = arith.andi %ne3A, %ne3A_150 : i1
        %sub3A = arith.constant 1 : i32
        %sub3A_151 = arith.subi %div3A, %sub3A : i32
        %select_n3A = arith.select %and3A, %sub3A_151, %div3A : i32
        %add3A_152 = arith.constant 1 : i32
        %add3A_153 = arith.addi %add3A_133, %add3A_152 : i32
        %mul3A_154 = arith.constant 512 : i32
        %mul3A_155 = arith.muli %add3A_153, %mul3A_154 : i32
        %jit3A_156 = arith.constant 16 : i32
        %div3A_157 = arith.divsi %mul3A_155, %jit3A_156 : i32
        %sign3A_158 = arith.constant 0 : i32
        %sign3A_159 = arith.cmpi sgt, %mul3A_155, %sign3A_158 : i32
        %sign3A_160 = arith.extui %sign3A_159 : i1 to i32
        %sign3A_161 = arith.constant 0 : i32
        %sign3A_162 = arith.cmpi slt, %mul3A_155, %sign3A_161 : i32
        %sign3A_163 = arith.extui %sign3A_162 : i1 to i32
        %sign3A_164 = arith.subi %sign3A_160, %sign3A_163 : i32
        %sign3A_165 = arith.constant 0 : i32
        %sign3A_166 = arith.cmpi sgt, %jit3A_156, %sign3A_165 : i32
        %sign3A_167 = arith.extui %sign3A_166 : i1 to i32
        %sign3A_168 = arith.constant 0 : i32
        %sign3A_169 = arith.cmpi slt, %jit3A_156, %sign3A_168 : i32
        %sign3A_170 = arith.extui %sign3A_169 : i1 to i32
        %sign3A_171 = arith.subi %sign3A_167, %sign3A_170 : i32
        %ne3A_172 = arith.cmpi ne, %sign3A_164, %sign3A_171 : i32
        %rem3A_173 = arith.remsi %mul3A_155, %jit3A_156 : i32
        %ne3A_174 = arith.constant 0 : i32
        %ne3A_175 = arith.cmpi ne, %rem3A_173, %ne3A_174 : i32
        %and3A_176 = arith.andi %ne3A_172, %ne3A_175 : i1
        %sub3A_177 = arith.constant 1 : i32
        %sub3A_178 = arith.subi %div3A_157, %sub3A_177 : i32
        %select_n3A_179 = arith.select %and3A_176, %sub3A_178, %div3A_157 : i32
        %while3A = arith.constant 0 : i32
        %while3A_180 = arith.subi %select_n3A_179, %select_n3A : i32
        %while3A_181 = arith.addi %select_n3A, %while3A_180 : i32
        %while3A_182 = arith.constant 1 : i32
        %while3A_183 = arith.divsi %while3A_180, %while3A_182 : i32
        %while3A_184 = arith.muli %while3A_183, %while3A_182 : i32
        %while3A_185 = arith.addi %select_n3A, %while3A_184 : i32
        %while3A_186 = arith.constant 1 : i32
        scf.for %while3A_188 = %select_n3A to %while3A_185 step %while3A_186  : i32 {
          %mul3A_189 = arith.constant 16 : i32
          %mul3A_190 = arith.muli %while3A_188, %mul3A_189 : i32
          %get3A = arith.index_cast %mul3A_190 : i32 to index
          %get3A_191 = tpu.vector_load %arg5[%get3A] {strides = array<i32>} : memref<8192xi32, #tpu.memory_space<vmem>>, vector<16xi32>,
          %get3A_192 = vector.shape_cast %get3A_191 : vector<16xi32> to vector<16xi32>
          %jit3A_193 = arith.constant -4096 : i32
          %jit3A_194 = arith.constant 4096 : i32
          %max3A = vector.broadcast %jit3A_193 : i32 to vector<16xi32>
          %max3A_195 = arith.maxsi %max3A, %get3A_192 : vector<16xi32>
          %min3A = vector.broadcast %jit3A_194 : i32 to vector<16xi32>
          %min3A_196 = arith.minsi %min3A, %max3A_195 : vector<16xi32>
          %add3A_197 = arith.constant 4095 : i32
          %add3A_198 = vector.broadcast %add3A_197 : i32 to vector<16xi32>
          %add3A_199 = arith.addi %min3A_196, %add3A_198 : vector<16xi32>
          %max3A_200 = arith.constant 0 : i32
          %max3A_201 = vector.broadcast %max3A_200 : i32 to vector<16xi32>
          %max3A_202 = arith.maxsi %add3A_199, %max3A_201 : vector<16xi32>
          %mul3A_203 = arith.constant 16 : i32
          %mul3A_204 = arith.muli %while3A_188, %mul3A_203 : i32
          %swap3A = arith.index_cast %mul3A_204 : i32 to index
          %swap3A_205 = tpu.vector_load %arg5[%swap3A] {strides = array<i32>} : memref<8192xi32, #tpu.memory_space<vmem>>, vector<16xi32>,
          %swap3A_206 = vector.shape_cast %swap3A_205 : vector<16xi32> to vector<16xi32>
          %swap3A_207 = vector.shape_cast %max3A_202 : vector<16xi32> to vector<16xi32>
          tpu.vector_store %arg5[%swap3A], %swap3A_207 {strides = array<i32>} : memref<8192xi32, #tpu.memory_space<vmem>>, vector<16xi32>,
        }
        %while3A_187 = arith.constant 1 : i32
        scf.for %while3A_188 = %while3A_185 to %while3A_181 step %while3A_187  : i32 {
          %mul3A_189 = arith.constant 16 : i32
          %mul3A_190 = arith.muli %while3A_188, %mul3A_189 : i32
          %get3A = arith.index_cast %mul3A_190 : i32 to index
          %get3A_191 = tpu.vector_load %arg5[%get3A] {strides = array<i32>} : memref<8192xi32, #tpu.memory_space<vmem>>, vector<16xi32>,
          %get3A_192 = vector.shape_cast %get3A_191 : vector<16xi32> to vector<16xi32>
          %jit3A_193 = arith.constant -4096 : i32
          %jit3A_194 = arith.constant 4096 : i32
          %max3A = vector.broadcast %jit3A_193 : i32 to vector<16xi32>
          %max3A_195 = arith.maxsi %max3A, %get3A_192 : vector<16xi32>
          %min3A = vector.broadcast %jit3A_194 : i32 to vector<16xi32>
          %min3A_196 = arith.minsi %min3A, %max3A_195 : vector<16xi32>
          %add3A_197 = arith.constant 4095 : i32
          %add3A_198 = vector.broadcast %add3A_197 : i32 to vector<16xi32>
          %add3A_199 = arith.addi %min3A_196, %add3A_198 : vector<16xi32>
          %max3A_200 = arith.constant 0 : i32
          %max3A_201 = vector.broadcast %max3A_200 : i32 to vector<16xi32>
          %max3A_202 = arith.maxsi %add3A_199, %max3A_201 : vector<16xi32>
          %mul3A_203 = arith.constant 16 : i32
          %mul3A_204 = arith.muli %while3A_188, %mul3A_203 : i32
          %swap3A = arith.index_cast %mul3A_204 : i32 to index
          %swap3A_205 = tpu.vector_load %arg5[%swap3A] {strides = array<i32>} : memref<8192xi32, #tpu.memory_space<vmem>>, vector<16xi32>,
          %swap3A_206 = vector.shape_cast %swap3A_205 : vector<16xi32> to vector<16xi32>
          %swap3A_207 = vector.shape_cast %max3A_202 : vector<16xi32> to vector<16xi32>
          tpu.vector_store %arg5[%swap3A], %swap3A_207 {strides = array<i32>} : memref<8192xi32, #tpu.memory_space<vmem>>, vector<16xi32>,
        }
      } else {
      }
      %ge3A_94 = arith.constant 1 : i32
      %ge3A_95 = arith.cmpi sge, %add3A_86, %ge3A_94 : i32
      %convert_element_type3A_96 = arith.extui %ge3A_95 : i1 to i32
      %cond3A_97 = arith.constant 0 : i32
      %cond3A_98 = arith.cmpi ne, %convert_element_type3A_96, %cond3A_97 : i32
      scf.if %cond3A_98 {
        %dma_wait3A_132 = arith.constant 0 : i32
        %dma_wait3A_133 = arith.constant 0 : i32
        %dma_wait3A_134 = arith.constant 0 : i32
        %dma_wait3A_135 = tpu.memref_slice %arg6[%dma_wait3A_132, %dma_wait3A_133, %dma_wait3A_134] : memref<2x512x64xf32, #tpu.memory_space<vmem>> -> memref<1x512x64xf32, #tpu.memory_space<vmem>>
        %dma_wait3A_136 = tpu.memref_squeeze %dma_wait3A_135 : memref<1x512x64xf32, #tpu.memory_space<vmem>> -> memref<512x64xf32, #tpu.memory_space<vmem>>
        %dma_wait3A_137 = arith.constant 0 : i32
        %dma_wait3A_138 = arith.constant 0 : i32
        %dma_wait3A_139 = tpu.memref_slice %arg4[%dma_wait3A_137, %dma_wait3A_138] : memref<262144x128xf32, #tpu.memory_space<hbm>> -> memref<512x64xf32, #tpu.memory_space<hbm>>
        %dma_wait3A_140 = arith.constant 0 : i32
        %dma_wait3A_141 = arith.constant 0 : i32
        %dma_wait3A_142 = tpu.memref_slice %arg4[%dma_wait3A_140, %dma_wait3A_141] : memref<262144x128xf32, #tpu.memory_space<hbm>> -> memref<512x64xf32, #tpu.memory_space<hbm>>
        %dma_wait3A_143 = arith.constant 0 : i32
        %dma_wait3A_144 = arith.constant 0 : i32
        %dma_wait3A_145 = tpu.memref_slice %arg6[%dma_wait3A_132, %dma_wait3A_143, %dma_wait3A_144] : memref<2x512x64xf32, #tpu.memory_space<vmem>> -> memref<1x512x64xf32, #tpu.memory_space<vmem>>
        %dma_wait3A_146 = tpu.memref_squeeze %dma_wait3A_145 : memref<1x512x64xf32, #tpu.memory_space<vmem>> -> memref<512x64xf32, #tpu.memory_space<vmem>>
        tpu.wait_dma2 semaphore(%arg9 : memref<!tpu.dma_semaphore, #tpu.memory_space<semaphore_mem>>) src(%dma_wait3A_146 : memref<512x64xf32, #tpu.memory_space<vmem>>) dst(%dma_wait3A_142 : memref<512x64xf32, #tpu.memory_space<hbm>>)
      } else {
      }
      %add3A_99 = arith.constant 1 : i32
      %add3A_100 = arith.addi %add3A_86, %add3A_99 : i32
      %lt3A_101 = arith.constant 16 : i32
      %lt3A_102 = arith.cmpi slt, %add3A_100, %lt3A_101 : i32
      %convert_element_type3A_103 = arith.extui %lt3A_102 : i1 to i32
      %cond3A_104 = arith.constant 0 : i32
      %cond3A_105 = arith.cmpi ne, %convert_element_type3A_103, %cond3A_104 : i32
      scf.if %cond3A_105 {
        %add3A_132 = arith.constant 1 : i32
        %add3A_133 = arith.addi %add3A_86, %add3A_132 : i32
        %mul3A_134 = arith.constant 512 : i32
        %mul3A_135 = arith.muli %add3A_133, %mul3A_134 : i32
        %dma_start3A_136 = arith.constant 0 : i32
        %dma_start3A_137 = arith.constant 0 : i32
        %dma_start3A_138 = arith.constant 0 : i32
        %dma_start3A_139 = tpu.memref_slice %arg6[%dma_start3A_136, %dma_start3A_137, %dma_start3A_138] : memref<2x512x64xf32, #tpu.memory_space<vmem>> -> memref<1x512x64xf32, #tpu.memory_space<vmem>>
        %dma_start3A_140 = tpu.memref_squeeze %dma_start3A_139 : memref<1x512x64xf32, #tpu.memory_space<vmem>> -> memref<512x64xf32, #tpu.memory_space<vmem>>
        %dma_start3A_141 = tpu.memref_slice %arg5[%mul3A_135] : memref<8192xi32, #tpu.memory_space<vmem>> -> memref<512xi32, #tpu.memory_space<vmem>>
        %dma_start3A_142 = arith.constant 0 : i32
        %dma_start3A_143 = arith.constant 0 : i32
        %dma_start3A_144 = tpu.memref_slice %arg3[%dma_start3A_142, %dma_start3A_143] : memref<8193x64xf32, #tpu.memory_space<hbm>> -> memref<8193x64xf32, #tpu.memory_space<hbm>>
        tpu.enqueue_indirect_dma source(%dma_start3A_144 : memref<8193x64xf32, #tpu.memory_space<hbm>>) target(%dma_start3A_140 : memref<512x64xf32, #tpu.memory_space<vmem>>) offsets(%dma_start3A_141 : memref<512xi32, #tpu.memory_space<vmem>>) semaphore(%arg7 : memref<!tpu.dma_semaphore, #tpu.memory_space<semaphore_mem>>)
      } else {
      }
      %dma_wait3A_106 = arith.constant 0 : i32
      %dma_wait3A_107 = arith.constant 0 : i32
      %dma_wait3A_108 = arith.constant 0 : i32
      %dma_wait3A_109 = tpu.memref_slice %arg6[%dma_wait3A_106, %dma_wait3A_107, %dma_wait3A_108] : memref<2x512x64xf32, #tpu.memory_space<vmem>> -> memref<1x512x64xf32, #tpu.memory_space<vmem>>
      %dma_wait3A_110 = tpu.memref_squeeze %dma_wait3A_109 : memref<1x512x64xf32, #tpu.memory_space<vmem>> -> memref<512x64xf32, #tpu.memory_space<vmem>>
      %dma_wait3A_111 = arith.constant 0 : i32
      %dma_wait3A_112 = tpu.memref_slice %arg5[%dma_wait3A_111] : memref<8192xi32, #tpu.memory_space<vmem>> -> memref<512xi32, #tpu.memory_space<vmem>>
      %dma_wait3A_113 = arith.constant 0 : i32
      %dma_wait3A_114 = arith.constant 0 : i32
      %dma_wait3A_115 = tpu.memref_slice %arg3[%dma_wait3A_113, %dma_wait3A_114] : memref<8193x64xf32, #tpu.memory_space<hbm>> -> memref<8193x64xf32, #tpu.memory_space<hbm>>
      tpu.wait_indirect_dma semaphore(%arg8 : memref<!tpu.dma_semaphore, #tpu.memory_space<semaphore_mem>>) src(%dma_wait3A_115 : memref<8193x64xf32, #tpu.memory_space<hbm>>) dst(%dma_wait3A_110 : memref<512x64xf32, #tpu.memory_space<vmem>>)
      %mul3A_116 = arith.constant 512 : i32
      %mul3A_117 = arith.muli %add3A_86, %mul3A_116 : i32
      %add3A_118 = arith.addi %mul3A_2, %mul3A_117 : i32
      %dma_start3A_119 = arith.constant 1 : i32
      %dma_start3A_120 = arith.constant 0 : i32
      %dma_start3A_121 = arith.constant 0 : i32
      %dma_start3A_122 = tpu.memref_slice %arg6[%dma_start3A_119, %dma_start3A_120, %dma_start3A_121] : memref<2x512x64xf32, #tpu.memory_space<vmem>> -> memref<1x512x64xf32, #tpu.memory_space<vmem>>
      %dma_start3A_123 = tpu.memref_squeeze %dma_start3A_122 : memref<1x512x64xf32, #tpu.memory_space<vmem>> -> memref<512x64xf32, #tpu.memory_space<vmem>>
      %dma_start3A_124 = arith.constant 0 : i32
      %dma_start3A_125 = tpu.memref_slice %arg4[%add3A_118, %dma_start3A_124] : memref<262144x128xf32, #tpu.memory_space<hbm>> -> memref<512x64xf32, #tpu.memory_space<hbm>>
      %dma_start3A_126 = arith.constant 0 : i32
      %dma_start3A_127 = tpu.memref_slice %arg4[%add3A_118, %dma_start3A_126] : memref<262144x128xf32, #tpu.memory_space<hbm>> -> memref<512x64xf32, #tpu.memory_space<hbm>>
      %dma_start3A_128 = arith.constant 0 : i32
      %dma_start3A_129 = arith.constant 0 : i32
      %dma_start3A_130 = tpu.memref_slice %arg6[%dma_start3A_119, %dma_start3A_128, %dma_start3A_129] : memref<2x512x64xf32, #tpu.memory_space<vmem>> -> memref<1x512x64xf32, #tpu.memory_space<vmem>>
      %dma_start3A_131 = tpu.memref_squeeze %dma_start3A_130 : memref<1x512x64xf32, #tpu.memory_space<vmem>> -> memref<512x64xf32, #tpu.memory_space<vmem>>
      tpu.enqueue_dma source(%dma_start3A_131 : memref<512x64xf32, #tpu.memory_space<vmem>>) target(%dma_start3A_127 : memref<512x64xf32, #tpu.memory_space<hbm>>) target_semaphore(%arg10 : memref<!tpu.dma_semaphore, #tpu.memory_space<semaphore_mem>>)
    }
    %scan3A_22 = arith.constant 8 : i32
    %dma_wait3A = arith.constant 0 : i32
    %dma_wait3A_23 = arith.constant 0 : i32
    %dma_wait3A_24 = arith.constant 0 : i32
    %dma_wait3A_25 = tpu.memref_slice %arg6[%dma_wait3A, %dma_wait3A_23, %dma_wait3A_24] : memref<2x512x64xf32, #tpu.memory_space<vmem>> -> memref<1x512x64xf32, #tpu.memory_space<vmem>>
    %dma_wait3A_26 = tpu.memref_squeeze %dma_wait3A_25 : memref<1x512x64xf32, #tpu.memory_space<vmem>> -> memref<512x64xf32, #tpu.memory_space<vmem>>
    %dma_wait3A_27 = arith.constant 0 : i32
    %dma_wait3A_28 = arith.constant 0 : i32
    %dma_wait3A_29 = tpu.memref_slice %arg4[%dma_wait3A_27, %dma_wait3A_28] : memref<262144x128xf32, #tpu.memory_space<hbm>> -> memref<512x64xf32, #tpu.memory_space<hbm>>
    %dma_wait3A_30 = arith.constant 0 : i32
    %dma_wait3A_31 = arith.constant 0 : i32
    %dma_wait3A_32 = tpu.memref_slice %arg4[%dma_wait3A_30, %dma_wait3A_31] : memref<262144x128xf32, #tpu.memory_space<hbm>> -> memref<512x64xf32, #tpu.memory_space<hbm>>
    %dma_wait3A_33 = arith.constant 0 : i32
    %dma_wait3A_34 = arith.constant 0 : i32
    %dma_wait3A_35 = tpu.memref_slice %arg6[%dma_wait3A, %dma_wait3A_33, %dma_wait3A_34] : memref<2x512x64xf32, #tpu.memory_space<vmem>> -> memref<1x512x64xf32, #tpu.memory_space<vmem>>
    %dma_wait3A_36 = tpu.memref_squeeze %dma_wait3A_35 : memref<1x512x64xf32, #tpu.memory_space<vmem>> -> memref<512x64xf32, #tpu.memory_space<vmem>>
    tpu.wait_dma2 semaphore(%arg10 : memref<!tpu.dma_semaphore, #tpu.memory_space<semaphore_mem>>) src(%dma_wait3A_36 : memref<512x64xf32, #tpu.memory_space<vmem>>) dst(%dma_wait3A_32 : memref<512x64xf32, #tpu.memory_space<hbm>>)
    return
  }
}

</mosaic_0001>

<sc_bundles>
// kernel: kernel.3.cloned.1.call-start
scs
__scs_entry_jumppad:
0x0: {  	(pc) =	sbr.rel $0x88, $3  }
0x1: {  	(tag) =	ssettag $0x0;
	lr =	simm.s32 $0x1  }
0x2: {  	[smem:$0x3F9F] =	sst lr;
	_ =	strace $0xD0000000  }
0x3: {  	_ = 	snop  }
0x4: {  	_ = 	snop  }
0x5: {  	_ = 	snop  }
0x6: {  	_ = 	snop  }
0x7: {  	_ = 	snop  }
__scs_overlays_trampoline_lowered:
0x8: {  	[smem:$0x3FAE] =	sst s0  }
0x9: {  	[smem:$0x3FAF] =	sst s1  }
0xa: {  	[smem:$0x3FB0] =	sst s2  }
0xb: {  	[smem:$0x3FB1] =	sst s3  }
0xc: {  	[smem:$0x3FB2] =	sst s4  }
0xd: {  	[smem:$0x3FB3] =	sst s5  }
0xe: {  	[smem:$0x3FB4] =	sst s6  }
0xf: {  	[smem:$0x3FB5] =	sst s7  }
0x10: {  	[smem:$0x3FB6] =	sst s8  }
0x11: {  	[smem:$0x3FB7] =	sst s9;
	s0 =	simm.s32 @!p0 $0x0  }
0x12: {  	s1 =	sld [smem:$0x3F9D];
	s0 =	simm.s32 @p0 $0x1  }
0x13: {  	[smem:$0x3FB8] =	sst s0;
	s0 =	simm.s32 @!p1 $0x0  }
0x14: {  	s2 =	sld [smem:$0x3F9C];
	s0 =	simm.s32 @p1 $0x1  }
0x15: {  	[smem:$0x3FB9] =	sst s0;
	s0 =	simm.s32 @!p2 $0x0  }
0x16: {  	s3 =	sld [smem:$0x3FDB];
	s0 =	simm.s32 @p2 $0x1  }
0x17: {  	s4 =	simm.s32 $0x1BF5;
	[smem:$0x3FBB] =	sst s0  }
0x18: {  	s0 =	sld [smem:$0x3F9E];
	_ =	swait.ge [sflag:s4], $0x0  }
0x19: {  	s7 =	sld [smem:$0x3F9F]  }
0x1a: {  	s8 =	sadd.s32 $0xFFFFE003, lr  }
0x1b: {  	s9 =	sadd.s32 $0xFFFFFEF7, lr;
	s5 =	simm.s32 $0xFFFFFFFF;
	p2 =	slt.u32 s8, $0xFFFFF086  }
0x1c: {  	p1 =	slt.u32 s9, $0xF7A;
	s5 =	simm.s32 @!p2 $0x0  }
0x1d: {  	s5 =	simm.s32 @p1 $0x1;
	p0 =	seq.s32 s7, s2  }
0x1e: {  	s7 =	smul.u32 @!p0 $0xF7A, s2;
	p2 =	seq.s32 @!p0 s5, $0x0  }
0x1f: {  	s9 =	smul.u32 $0xF7A, s1;
	s8 =	simm.s32 @!p0 $0x1BF5;
	p2 =	por !p2, p0  }
0x20: {  	[sflag:s8] =	ssyncset.s32 @!p0 $0xFFFFF086;
	s6 =	sadd.s32 @!p0 s3, s7;
	s7 =	simm.s32 @!p0 $0x108  }
0x21: {  	s3 =	sadd.s32 s3, s9;
	s6 =	sadd.s32 @!p0 $0x88, s6;
	s7 =	simm.s32 @p2 $0x1082  }
0x22: {  	[simem:s7], [sflag:s8] =	dma.local @!p0 [hbm:s6], $0xF7A  }
0x23: {  	s9 =	sor.u32 $0xD0000000, s2;
	s6 =	simm.s32 $0x108;
	_ =	swait.ge @!p0 [sflag:s8], $0x0  }
0x24: {  	s3 =	sadd.s32 $0x88, s3;
	s6 =	simm.s32 @!p1 $0x1082;
	[sflag:s4] =	ssyncset.s32 $0xFFFFF086  }
0x25: {  	[simem:s6], [sflag:s4] =	dma.local [hbm:s3], $0xF7A  }
0x26: {  	[smem:$0x3F9F] =	sst s1;
	(tag) =	ssettag s2;
	_ =	strace s9  }
0x27: {  	s1 =	sld [smem:$0x3FAF]  }
0x28: {  	s2 =	sld [smem:$0x3FB0]  }
0x29: {  	s4 =	sld [smem:$0x3FB2]  }
0x2a: {  	p0 =	seq.s32 s5, $0x0;
	s5 =	sld [smem:$0x3FB3]  }
0x2b: {  	s6 =	sld [smem:$0x3FB4]  }
0x2c: {  	s7 =	sld [smem:$0x3FB5]  }
0x2d: {  	s3 =	simm.s32 $0x108;
	s8 =	sld [smem:$0x3FB6]  }
0x2e: {  	s3 =	simm.s32 @!p0 $0x1082;
	s9 =	sld [smem:$0x3FB7]  }
0x2f: {  	lr =	sadd.s32 s0, s3;
	s0 =	sld [smem:$0x3FAE]  }
0x30: {  	s3 =	sld [smem:$0x3FB1]  }
0x31: {  	[smem:$0x3FBA] =	sst s10  }
0x32: {  	s10 =	sld [smem:$0x3FB8];
	_ =	sdelay $0x3  }
0x33: {  	p0 =	seq.s32 s10, $0x1;
	s10 =	sld [smem:$0x3FBA];
	_ =	sdelay $0x3  }
0x34: {  	[smem:$0x3FBA] =	sst s10  }
0x35: {  	s10 =	sld [smem:$0x3FB9];
	_ =	sdelay $0x3  }
0x36: {  	p1 =	seq.s32 s10, $0x1;
	s10 =	sld [smem:$0x3FBA];
	_ =	sdelay $0x3  }
0x37: {  	[smem:$0x3FBA] =	sst s10  }
0x38: {  	s10 =	sld [smem:$0x3FBB]  }
0x39: {  	_ = 	snop;
	(pc) =	sbr.ind lr, $3  }
0x3a: {  	_ = 	snop  }
0x3b: {  	_ = 	snop  }
0x3c: {  	p2 =	seq.s32 s10, $0x1;
	s10 =	sld [smem:$0x3FBA]  }
0x3d: {  	_ =	shalt  }
0x3e: {  	_ =	shalt  }
0x3f: {  	_ =	shalt  }
0x40: {  	_ =	shalt  }
0x41: {  	_ =	shalt  }
0x42: {  	_ =	shalt  }
0x43: {  	_ =	shalt  }
0x44: {  	_ =	shalt  }
0x45: {  	_ =	shalt  }
0x46: {  	_ =	shalt  }
0x47: {  	_ =	shalt  }
0x48: {  	_ =	shalt  }
0x49: {  	_ =	shalt  }
0x4a: {  	_ =	shalt  }
0x4b: {  	_ =	shalt  }
0x4c: {  	_ =	shalt  }
0x4d: {  	_ =	shalt  }
0x4e: {  	_ =	shalt  }
0x4f: {  	_ =	shalt  }
0x50: {  	_ =	shalt  }
0x51: {  	_ =	shalt  }
0x52: {  	_ =	shalt  }
0x53: {  	_ =	shalt  }
0x54: {  	_ =	shalt  }
0x55: {  	_ =	shalt  }
0x56: {  	_ =	shalt  }
0x57: {  	_ =	shalt  }
0x58: {  	_ =	shalt  }
0x59: {  	_ =	shalt  }
0x5a: {  	_ =	shalt  }
0x5b: {  	_ =	shalt  }
0x5c: {  	_ =	shalt  }
0x5d: {  	_ =	shalt  }
0x5e: {  	_ =	shalt  }
0x5f: {  	_ =	shalt  }
0x60: {  	_ =	shalt  }
0x61: {  	_ =	shalt  }
0x62: {  	_ =	shalt  }
0x63: {  	_ =	shalt  }
0x64: {  	_ =	shalt  }
0x65: {  	_ =	shalt  }
0x66: {  	_ =	shalt  }
0x67: {  	_ =	shalt  }
0x68: {  	_ =	shalt  }
0x69: {  	_ =	shalt  }
0x6a: {  	_ =	shalt  }
0x6b: {  	_ =	shalt  }
0x6c: {  	_ =	shalt  }
0x6d: {  	_ =	shalt  }
0x6e: {  	_ =	shalt  }
0x6f: {  	_ =	shalt  }
0x70: {  	_ =	shalt  }
0x71: {  	_ =	shalt  }
0x72: {  	_ =	shalt  }
0x73: {  	_ =	shalt  }
0x74: {  	_ =	shalt  }
0x75: {  	_ =	shalt  }
0x76: {  	_ =	shalt  }
0x77: {  	_ =	shalt  }
0x78: {  	_ =	shalt  }
0x79: {  	_ =	shalt  }
0x7a: {  	_ =	shalt  }
0x7b: {  	_ =	shalt  }
0x7c: {  	_ =	shalt  }
0x7d: {  	_ =	shalt  }
0x7e: {  	_ =	shalt  }
0x7f: {  	_ =	shalt  }
0x80: {  	_ =	shalt  }
0x81: {  	_ =	shalt  }
0x82: {  	_ =	shalt  }
0x83: {  	_ =	shalt  }
0x84: {  	_ =	shalt  }
0x85: {  	_ =	shalt  }
0x86: {  	_ =	shalt  }
0x87: {  	_ =	shalt  }
.Lfunc_end0:
.L_simem_size_0:
called_computation.1_lowered:
.L_overlay_start_0:
0x88: {  	s2 =	sld [smem:$0x3FD9]  }
0x89: {  	s3 =	sld [smem:$0x3FFE];
	_ =	sdelay $0x1  }
0x8a: {  	s1 =	srdreg.scid  }
0x8b: {  	s0 =	sand.u32 $0x1, s1  }
0x8c: {  	s17 =	sshll.u32 s0, $0xA;
	s2 =	sadd.s32 s3, s2  }
0x8d: {  	s2 =	sadd.s32 s2, s17  }
0x8e: {  	[smem:$0x3FC6] =	sst s2  }
0x8f: {  	_ = 	snop  }
0x90: {  	s2 =	sld [smem:$0x3FD0];
	(tm) =	ssettm $0x1  }
0x91: {  	s18 =	sld [smem:$0x3FFB];
	_ =	sdelay $0x3  }
0x92: {  	_ =	strace s18  }
0x93: {  	s3 =	sld [smem:$0x3FFC];
	_ =	sdelay $0x3  }
0x94: {  	_ =	strace s3  }
0x95: {  	s3 =	sld [smem:$0x3FFD];
	_ =	sdelay $0x3  }
0x96: {  	_ =	strace s3  }
0x97: {  	_ =	strace $0x8FFFFFFF  }
0x98: {  	s19 =	sld [smem:$0x3FDB];
	_ =	sdelay $0x1  }
0x99: {  	s4 =	simm.s32 $_scs_section_size  }
0x9a: {  	s5 =	simm.s32 $_size__tile_overlayer_lowered;
	s6 =	simm.s32 $_tile_overlayer_lowered  }
0x9b: {  	s22 =	simm.s32 $0x1BFF;
	s21 =	sshll.u32 s6, $0x1;
	s3 =	sadd.s32 s4, s19  }
0x9c: {  	s7 =	simm.s32 $0x0;
	s20 =	sshll.u32 s5, $0x1;
	s5 =	sadd.s32 s21, s3  }
0x9d: {  	[timem:s7], [sflag:s22] =	dma.local [hbm:s5], s20  }
0x9e: {  	_ =	swait.ge [sflag:s22], s20  }
0x9f: {  	s4 =	ssub.s32 $0x0, s20;
	[sflag:s22] =	ssyncset.done $0x0  }
0xa0: {  	[sflag:s22] =	ssyncadd.s32 s4;
	_ =	sdelay $0x1  }
0xa1: {  	s23 =	simm.s32 $0x1B8B  }
0xa2: {  	_ =	swait.ge [sflag:s23], $0x1  }
0xa3: {  	[sflag:s23] =	ssyncset.done $0x0  }
0xa4: {  	s25 =	simm.s32 $0x1B8E;
	s24 =	sld [smem:$0x3FFE];
	[sflag:s23] =	ssyncadd.s32 $0xFFFFFFFF  }
0xa5: {  	s26 =	simm.s32 $execute0_lowered;
	[smem:$0x3FD2] =	sst s25  }
0xa6: {  	s5 =	sshll.u32 s26, $0x1;
	_ =	strace $0x80000046;
	[dreg:$0x1] =	wrdreg $0xFFFFFFFF  }
0xa7: {  	s28 =	simm.s32 $_size_execute0_lowered;
	s3 =	sadd.s32 s3, s5;
	[dreg:$0x0] =	wrdreg $0x0  }
0xa8: {  	s5 =	sshll.u32 s28, $0x1;
	[dreg:$0x2] =	wrdreg s3  }
0xa9: {  	[dreg:$0x3] =	wrdreg s5  }
0xaa: {  	[dreg:$0x4] =	wrdreg $0xC0  }
0xab: {  	_ =	task [dreg:s7], $0x5FFFF  }
0xac: {  	[dreg:$0x1] =	wrdreg $0xFFFFFFFF  }
0xad: {  	[dreg:$0x0] =	wrdreg $0x60  }
0xae: {  	[dreg:$0x2] =	wrdreg s24  }
0xaf: {  	[dreg:$0x3] =	wrdreg s2  }
0xb0: {  	[dreg:$0x4] =	wrdreg $0x9  }
0xb1: {  	_ =	task.clear_ibuf [dreg:s7], $0x5FFFF;
	_ =	strace $0x90000046  }
0xb2: {  	s29 =	simm.s32 $0x9;
	_ =	strace $0x80000048  }
0xb3: {  	_ =	swait.ge [sflag:s29], $0x1  }
0xb4: {  	[sflag:s29] =	ssyncadd.s32 $0xFFFFFFFF  }
0xb5: {  	_ =	strace $0x90000048  }
0xb6: {  	_ =	sfence  }
0xb7: {  	s30 =	sld [smem:$0x0];
	_ =	sdelay $0x2  }
0xb8: {  	s31 =	sshll.u32 s1, $0xD;
	s1 =	sshrl.u32 s1, $0x2  }
0xb9: {  	s3 =	sand.u32 $0x4000, s31;
	s1 =	sadd.s32 s1, s30  }
0xba: {  	s0 =	sor.u32 s3, s0;
	s1 =	sshll.u32 s1, $0x11  }
0xbb: {  	s0 =	sor.u32 s1, s0  }
0xbc: {  	s0 =	sadd.s32 $0x8F2B, s0  }
0xbd: {  	[sflag:s0] =	ssyncadd.remote.s32 $0x1  }
0xbe: {  	_ =	sfence.sel $0xFFFF  }
0xbf: {  	[dreg:$0x0] =	wrdreg $0xFFFFFFFF;
	(pc) =	sbr.abs _section_cstart, $3  }
0xc0: {  	[dreg:$0x1] =	wrdreg $0xFFFFFFFF  }
0xc1: {  	_ =	task.clear_ibuf [dreg:s7], $0x2FFFF;
	_ =	strace $0x9FFFFFFF  }
0xc2: {  	(tm) =	ssettm $0x7FFFFFFF  }
0xc3: {  	_ =	shalt  }
tec
execute0_lowered:
.L_overlay_start_1:
0x0: {  	(tag) =	ssettag $0x1  }
0x1: {  	s4 =	rddreg [dreg:$0x0]  }
0x2: {  	s2 =	rddreg [dreg:$0x1]  }
0x3: {  	s0 =	rddreg [dreg:$0x2];
	s5 =	srdreg.scid  }
0x4: {  	s3 =	simm.s32 $0x0;
	s1 =	stileid.u32;
	s9 =	simm.s32 $0x200  }
0x5: {  	s10 =	simm.s32 $0xA000;
	s11 =	simm.s32 $0x1;
	s12 =	simm.s32 $0x40  }
0x6: {  	s13 =	simm.s32 $0x80;
	s14 =	simm.s32 $0x3;
	s15 =	simm.s32 $0x2  }
0x7: {  	s16 =	simm.s32 $0x4;
	s17 =	simm.s32 $0x0;
	s5 =	sand.u32 $0x1, s5  }
0x8: {  	[smem:$0x7FF] =	sst s3;
	s6 =	sshll.u32 s1, $0xE;
	s7 =	sshll.u32 s5, $0xD  }
.Ltmp0:
0x9: {  	_ =	strace $0x80000047;
	s6 =	sor.u32 s7, s6;
	(pc) =	sbr.rel .LBB2_1-.Ltmp0, $4  }
0xa: {  	s5 =	ssub.s32 $0x2, s5;
	s7 =	sshrl.u32 s6, $0x3;
	s6 =	sshll.u32 s6, $0x4  }
0xb: {  	s31 =	sshrl.u32 s5, $0x1;
	s7 =	sadd.s32 s7, s4;
	s6 =	sadd.s32 s6, s4  }
0xc: {  	s8 =	ssub.s32 s5, s31;
	s4 =	sadd.s32 $0xA00, s7;
	s5 =	sadd.s32 $0x8A00, s6  }
0xd: {  	s6 =	smax.u32 s8, $0x1;
	s7 =	simm.s32 $0x5;
	s8 =	simm.s32 $0x2000  }
.LBB2_12:
0xe: {  	s17 =	sadd.s32 $0x1, s17  }
0xf: {  	p0 =	sne.s32 s17, s6  }
.Ltmp1:
0x10: {  	_ = 	snop;
	(pc) =	sbr.rel @!p0 .LBB2_13-.Ltmp1, $4  }
0x11: {  	_ = 	snop  }
0x12: {  	_ =	swait.ge [sflag:s16], $0x8000  }
0x13: {  	[sflag:s16] =	ssyncset.done $0x0  }
0x14: {  	[sflag:s16] =	ssyncadd.s32 $0xFFFF8000  }
.LBB2_1:
0x15: {  	[tilespmem:s3], [sflag:$0x5] =	stream.linear.gather [hbm4b:s4+s3], $0x2000, $0x38;
	[tilespmem:$0x12000] =	vst v63  }
0x16: {  	_ =	swait.ge [sflag:s7], $0x2000  }
0x17: {  	[sflag:s7] =	ssyncset.done $0x0  }
0x18: {  	s18 =	simm.s32 $0x0;
	s19 =	simm.s32 $0x40;
	[sflag:s7] =	ssyncadd.s32 $0xFFFFE000  }
.LBB2_2:
0x19: {  	p0 =	sne.s32 s19, $0x7C0;
	v0 =	vld [tilespmem:s18+$0x0];
	_ =	sdelay $0x4  }
0x1a: {  	vm0 =	vgt.s32 v0, $0xFFFFF001  }
.Ltmp2:
0x1b: {  	v0 =	vnsel vm0, $0xFFFFF001, v0;
	(pc) =	sbr.rel @p0 .LBB2_2-.Ltmp2, $4  }
0x1c: {  	vm0 =	vlt.s32 v0, $0x1000  }
0x1d: {  	v0 =	vnsel vm0, $0x1000, v0  }
0x1e: {  	v0 =	vadd.s32 $0xFFF, v0  }
0x1f: {  	[tilespmem:s18+$0x0] =	vst v0;
	s18 =	sshra.s32 s19, $0x2;
	s19 =	sadd.s32 $0x40, s19  }
0x20: {  	v0 =	vld [tilespmem:s18+$0x0];
	_ =	sdelay $0x4  }
0x21: {  	vm0 =	vgt.s32 v0, $0xFFFFF001  }
0x22: {  	v0 =	vnsel vm0, $0xFFFFF001, v0  }
.Ltmp3:
0x23: {  	vm0 =	vlt.s32 v0, $0x1000;
	(pc) =	sbr.rel .LBB2_4-.Ltmp3, $4  }
0x24: {  	v0 =	vnsel vm0, $0x1000, v0  }
0x25: {  	v0 =	vadd.s32 $0xFFF, v0  }
0x26: {  	s19 =	simm.s32 $0x0;
	s20 =	simm.s32 $0x400;
	[tilespmem:s18+$0x0] =	vst v0;
	s18 =	simm.s32 $0x200  }
0x27: {  	[tilespmem:s8], [sflag:$0x1] =	stream.indirect.gather [hbm4b:s2+s18], $0x40, s19, s18, $0xb8;
	[tilespmem:$0x12000] =	vst v63  }
.LBB2_10:
0x28: {  	_ =	swait.ge [sflag:s14], $0x8000  }
0x29: {  	[sflag:s14] =	ssyncset.done $0x0  }
0x2a: {  	[sflag:s14] =	ssyncadd.s32 $0xFFFF8000  }
.LBB2_11:
0x2b: {  	s19 =	sadd.s32 $0x1, s19  }
0x2c: {  	p0 =	sne.s32 s19, $0x8  }
.Ltmp4:
0x2d: {  	_ = 	snop;
	(pc) =	sbr.rel @!p0 .LBB2_12-.Ltmp4, $4  }
0x2e: {  	_ =	swait.ge [sflag:s15], $0x8000  }
0x2f: {  	s21 =	sshll.u32 s21, $0xD;
	s18 =	sadd.s32 $0x400, s18;
	[sflag:s15] =	ssyncset.done $0x0  }
0x30: {  	s20 =	sadd.s32 $0x400, s20;
	s21 =	sadd.s32 s21, s5;
	[sflag:s15] =	ssyncadd.s32 $0xFFFF8000  }
0x31: {  	[hbm4b:s21+s12] =	stream.strided.scatter [tilespmem:s10], [sflag:$0x4], $0x8000, s13, s12, $0x38;
	[tilespmem:$0x12000] =	vst v63  }
.LBB2_4:
0x32: {  	v0 =	vmov s18;
	_ =	sdelay $0x2  }
0x33: {  	s22 =	sshll.u32 s19, $0x1  }
0x34: {  	s21 =	sshllo.u32 s19, $0x1;
	s23 =	simm.s32 $0x0;
	s24 =	simm.s32 $0x40  }
.LBB2_5:
0x35: {  	p0 =	sne.s32 s24, $0x7C0;
	v1 =	vld.idx.msk [tilespmem:v0+s23+$0x0 ss:$0x1], $0xffff;
	_ =	sdelay $0x5  }
0x36: {  	vm0 =	vgt.s32 v1, $0xFFFFF001  }
.Ltmp5:
0x37: {  	v1 =	vnsel vm0, $0xFFFFF001, v1;
	(pc) =	sbr.rel @p0 .LBB2_5-.Ltmp5, $4  }
0x38: {  	vm0 =	vlt.s32 v1, $0x1000  }
0x39: {  	v1 =	vnsel vm0, $0x1000, v1  }
0x3a: {  	v1 =	vadd.s32 $0xFFF, v1  }
0x3b: {  	[tilespmem:v0+s23+$0x0 ss:$0x1] =	vst.idx.msk $0xffff, v1;
	s23 =	sshra.s32 s24, $0x2;
	s24 =	sadd.s32 $0x40, s24  }
0x3c: {  	_ =	sdelay $0x3  }
0x3d: {  	v1 =	vld.idx.msk [tilespmem:v0+s23+$0x0 ss:$0x1], $0xffff;
	_ =	sdelay $0x4  }
0x3e: {  	vm0 =	vgt.s32 v1, $0xFFFFF001  }
0x3f: {  	v1 =	vnsel vm0, $0xFFFFF001, v1  }
0x40: {  	vm0 =	vlt.s32 v1, $0x1000  }
0x41: {  	v1 =	vnsel vm0, $0x1000, v1  }
0x42: {  	p0 =	seq.s32 s19, $0x0;
	v1 =	vadd.s32 $0xFFF, v1  }
0x43: {  	[tilespmem:v0+s23+$0x0 ss:$0x1] =	vst.idx.msk $0xffff, v1;
	s23 =	simm.s32 @!p0 $0x4  }
0x44: {  	_ =	swait.ge @!p0 [sflag:s23], $0x8000  }
0x45: {  	s24 =	sshll.u32 s21, $0x9;
	[sflag:s23] =	ssyncset.done @!p0 $0x0  }
0x46: {  	s30 =	sand.u32 $0x3FFFFE00, s24;
	[sflag:s23] =	ssyncadd.s32 @!p0 $0xFFFF8000;
	p0 =	seq.s32 s19, $0x7  }
0x47: {  	[tilespmem:s10], [sflag:$0x2] =	stream.indirect.gather [hbm4b:s2+s9], $0x40, s30, s9, $0xb8;
	[tilespmem:$0x12000] =	vst v63  }
.Ltmp6:
0x48: {  	_ = 	snop;
	(pc) =	sbr.rel @p0 .LBB2_10-.Ltmp6, $4  }
0x49: {  	_ =	swait.ge [sflag:s11], $0x8000  }
0x4a: {  	s31 =	sshll.u32 s19, $0xE;
	[sflag:s11] =	ssyncset.done $0x0  }
0x4b: {  	s23 =	sadd.s32 s31, s5;
	[sflag:s11] =	ssyncadd.s32 $0xFFFF8000  }
0x4c: {  	[hbm4b:s23+s12] =	stream.strided.scatter [tilespmem:s8], [sflag:$0x3], $0x8000, s13, s12, $0x38;
	[tilespmem:$0x12000] =	vst v63  }
0x4d: {  	v0 =	vmov s20;
	_ =	sdelay $0x3  }
0x4e: {  	s22 =	sadd.s32 $0x2, s22;
	s23 =	simm.s32 $0x0;
	s24 =	simm.s32 $0x40  }
.LBB2_8:
0x4f: {  	p0 =	sne.s32 s24, $0x7C0;
	v1 =	vld.idx.msk [tilespmem:v0+s23+$0x0 ss:$0x1], $0xffff;
	_ =	sdelay $0x5  }
0x50: {  	vm0 =	vgt.s32 v1, $0xFFFFF001  }
.Ltmp7:
0x51: {  	v1 =	vnsel vm0, $0xFFFFF001, v1;
	(pc) =	sbr.rel @p0 .LBB2_8-.Ltmp7, $4  }
0x52: {  	vm0 =	vlt.s32 v1, $0x1000  }
0x53: {  	v1 =	vnsel vm0, $0x1000, v1  }
0x54: {  	v1 =	vadd.s32 $0xFFF, v1  }
0x55: {  	[tilespmem:v0+s23+$0x0 ss:$0x1] =	vst.idx.msk $0xffff, v1;
	s23 =	sshra.s32 s24, $0x2;
	s24 =	sadd.s32 $0x40, s24  }
0x56: {  	_ =	sdelay $0x3  }
0x57: {  	v1 =	vld.idx.msk [tilespmem:v0+s23+$0x0 ss:$0x1], $0xffff;
	_ =	sdelay $0x4  }
0x58: {  	vm0 =	vgt.s32 v1, $0xFFFFF001  }
0x59: {  	v1 =	vnsel vm0, $0xFFFFF001, v1  }
0x5a: {  	vm0 =	vlt.s32 v1, $0x1000  }
0x5b: {  	v1 =	vnsel vm0, $0x1000, v1  }
0x5c: {  	v1 =	vadd.s32 $0xFFF, v1  }
.Ltmp8:
0x5d: {  	[tilespmem:v0+s23+$0x0 ss:$0x1] =	vst.idx.msk $0xffff, v1;
	(pc) =	sbr.rel .LBB2_11-.Ltmp8, $4  }
0x5e: {  	_ =	swait.ge [sflag:s14], $0x8000  }
0x5f: {  	s22 =	sshll.u32 s22, $0x9;
	[sflag:s14] =	ssyncset.done $0x0  }
0x60: {  	s22 =	sand.u32 $0x3FFFFE00, s22;
	[sflag:s14] =	ssyncadd.s32 $0xFFFF8000  }
0x61: {  	[tilespmem:s8], [sflag:$0x1] =	stream.indirect.gather [hbm4b:s2+s9], $0x40, s22, s9, $0xb8;
	[tilespmem:$0x12000] =	vst v63  }
.LBB2_13:
0x62: {  	_ =	sfence.sel $0x180000  }
0x63: {  	[bflag:$0x0] =	sbarrier.arrive $0xFFFF  }
0x64: {  	p0 =	sne.s32 s1, $0x0;
	_ =	strace $0x90000047  }
0x65: {  	s0 =	sadd.s32 @!p0 $0x100000, s0;
	[bflag:$0x2] =	sbarrier.arrive $0xFFFF  }
0x66: {  	[sflag:s0] =	ssyncadd.tile.s32 @!p0 $0x1;
	_ =	shalt  }
.Lfunc_end2:
_tile_overlayer_lowered:
.L_overlay_start_2:
0x67: {  	(tag) =	ssettag $0x2  }
0x68: {  	s0 =	rddreg [dreg:$0x0];
	s2 =	stileid.u32  }
0x69: {  	s1 =	rddreg [dreg:$0x1];
	p0 =	sne.s32 s2, $0x0  }
0x6a: {  	s3 =	rddreg [dreg:$0x2];
	[bflag:$0x3] =	sbarrier.arrive $0xFFFF;
	s2 =	simm.s32 @!p0 $0x1C05  }
0x6b: {  	[timem:s3], [sflag:s2] =	dma.local @!p0 [hbm:s0], s1  }
0x6c: {  	s0 =	simm.s32 @!p0 $0x5  }
0x6d: {  	_ =	swait.ge @!p0 [sflag:s0], s1  }
0x6e: {  	s1 =	ssub.s32 @!p0 $0x0, s1;
	[sflag:s0] =	ssyncset.done @!p0 $0x0  }
0x6f: {  	[sflag:s0] =	ssyncadd.s32 @!p0 s1  }
0x70: {  	[bflag:$0x3] =	sbarrier.arrive $0xFFFF  }
0x71: {  	_ =	shalt  }

// kernel: sparse-core-data-format-call.cloned.1.call-start
scs
called_computation_lowered:
.L_overlay_start_0:
0x0: {  	s2 =	sld [smem:$0x3FD9]  }
0x1: {  	s3 =	sld [smem:$0x3FFE];
	_ =	sdelay $0x1  }
0x2: {  	s1 =	srdreg.scid  }
0x3: {  	s0 =	sand.u32 $0x1, s1  }
0x4: {  	s18 =	sshll.u32 s0, $0xA;
	s2 =	sadd.s32 s3, s2  }
0x5: {  	s2 =	sadd.s32 s2, s18  }
0x6: {  	[smem:$0x3FC6] =	sst s2  }
0x7: {  	_ = 	snop  }
0x8: {  	s2 =	sld [smem:$0x3FD0];
	(tm) =	ssettm $0x1  }
0x9: {  	s19 =	sld [smem:$0x3FFB];
	_ =	sdelay $0x3  }
0xa: {  	_ =	strace s19  }
0xb: {  	s3 =	sld [smem:$0x3FFC];
	_ =	sdelay $0x3  }
0xc: {  	_ =	strace s3  }
0xd: {  	s3 =	sld [smem:$0x3FFD];
	_ =	sdelay $0x3  }
0xe: {  	_ =	strace s3  }
0xf: {  	_ =	strace $0x8FFFFFFF  }
0x10: {  	s20 =	sld [smem:$0x3FDB];
	_ =	sdelay $0x1  }
0x11: {  	s4 =	simm.s32 $_scs_section_size  }
0x12: {  	s5 =	simm.s32 $_size__tile_overlayer_lowered;
	s6 =	simm.s32 $_tile_overlayer_lowered  }
0x13: {  	s23 =	simm.s32 $0x1BFF;
	s22 =	sshll.u32 s6, $0x1;
	s3 =	sadd.s32 s4, s20  }
0x14: {  	s7 =	simm.s32 $0x0;
	s21 =	sshll.u32 s5, $0x1;
	s5 =	sadd.s32 s22, s3  }
0x15: {  	[timem:s7], [sflag:s23] =	dma.local [hbm:s5], s21  }
0x16: {  	_ =	swait.ge [sflag:s23], s21  }
0x17: {  	s4 =	ssub.s32 $0x0, s21;
	[sflag:s23] =	ssyncset.done $0x0  }
0x18: {  	[sflag:s23] =	ssyncadd.s32 s4;
	_ =	sdelay $0x1  }
0x19: {  	s24 =	simm.s32 $0x1B8B  }
0x1a: {  	_ =	swait.ge [sflag:s24], $0x1  }
0x1b: {  	[sflag:s24] =	ssyncset.done $0x0  }
0x1c: {  	s26 =	simm.s32 $0x1B8E;
	s25 =	sld [smem:$0x3FFE];
	[sflag:s24] =	ssyncadd.s32 $0xFFFFFFFF  }
0x1d: {  	s27 =	simm.s32 $execute0_lowered;
	[smem:$0x3FD2] =	sst s26  }
0x1e: {  	s5 =	sshll.u32 s27, $0x1;
	_ =	strace $0x80000049;
	[dreg:$0x1] =	wrdreg $0xFFFFFFFF  }
0x1f: {  	s28 =	simm.s32 $_size_execute0_lowered;
	s3 =	sadd.s32 s3, s5;
	[dreg:$0x0] =	wrdreg $0x0  }
0x20: {  	s5 =	sshll.u32 s28, $0x1;
	[dreg:$0x2] =	wrdreg s3  }
0x21: {  	[dreg:$0x3] =	wrdreg s5  }
0x22: {  	[dreg:$0x4] =	wrdreg $0xC0  }
0x23: {  	_ =	task [dreg:s7], $0x5FFFF  }
0x24: {  	[dreg:$0x1] =	wrdreg $0xFFFFFFFF  }
0x25: {  	[dreg:$0x0] =	wrdreg $0x60  }
0x26: {  	[dreg:$0x2] =	wrdreg s25  }
0x27: {  	[dreg:$0x3] =	wrdreg s2  }
0x28: {  	[dreg:$0x4] =	wrdreg $0x9  }
0x29: {  	_ =	task.clear_ibuf [dreg:s7], $0x5FFFF;
	_ =	strace $0x90000049  }
0x2a: {  	s29 =	simm.s32 $0x9;
	_ =	strace $0x8000004B  }
0x2b: {  	_ =	swait.ge [sflag:s29], $0x1  }
0x2c: {  	[sflag:s29] =	ssyncadd.s32 $0xFFFFFFFF  }
0x2d: {  	_ =	strace $0x9000004B  }
0x2e: {  	_ =	sfence  }
0x2f: {  	s30 =	sld [smem:$0x0];
	_ =	sdelay $0x2  }
0x30: {  	s31 =	sshll.u32 s1, $0xD;
	s1 =	sshrl.u32 s1, $0x2  }
0x31: {  	s3 =	sand.u32 $0x4000, s31;
	s1 =	sadd.s32 s1, s30  }
0x32: {  	s0 =	sor.u32 s3, s0;
	s1 =	sshll.u32 s1, $0x11  }
0x33: {  	s0 =	sor.u32 s1, s0  }
0x34: {  	s0 =	sadd.s32 $0x8F2B, s0  }
0x35: {  	[sflag:s0] =	ssyncadd.remote.s32 $0x1  }
0x36: {  	_ =	sfence.sel $0xFFFF  }
0x37: {  	[dreg:$0x0] =	wrdreg $0xFFFFFFFF;
	(pc) =	sbr.abs _section_cstart, $3  }
0x38: {  	[dreg:$0x1] =	wrdreg $0xFFFFFFFF  }
0x39: {  	_ =	task.clear_ibuf [dreg:s7], $0x2FFFF;
	_ =	strace $0x9FFFFFFF  }
0x3a: {  	(tm) =	ssettm $0x7FFFFFFF  }
0x3b: {  	_ =	shalt  }
tec
execute0_lowered:
.L_overlay_start_1:
0x0: {  	(tag) =	ssettag $0x1  }
0x1: {  	s0 =	srdreg.scid  }
0x2: {  	s1 =	sshll.u32 s0, $0x4  }
0x3: {  	s6 =	rddreg [dreg:$0x0];
	s0 =	stileid.u32;
	s1 =	sand.u32 $0x10, s1  }
0x4: {  	s3 =	rddreg [dreg:$0x1];
	s5 =	simm.s32 $0x1;
	s1 =	sor.u32 s0, s1  }
0x5: {  	s31 =	simm.s32 $0x2;
	s12 =	simm.s32 $0x0;
	s2 =	sshll.u32 s1, $0x7  }
0x6: {  	s8 =	simm.s32 $0x10000;
	s13 =	simm.s32 $0x0;
	s4 =	ssub.s32 $0x2000, s2  }
0x7: {  	s9 =	simm.s32 $0x0;
	s11 =	simm.s32 $0x0;
	s30 =	sand.u32 $0xF80, s4  }
.Ltmp0:
0x8: {  	s6 =	sadd.s32 $0x8A00, s6;
	p0 =	sne.s32 s30, $0x0;
	(pc) =	sbr.rel .LBB1_1-.Ltmp0, $4  }
0x9: {  	s1 =	rddreg [dreg:$0x2];
	s7 =	sshrl.u32 s4, $0xC;
	s5 =	simm.s32 @!p0 $0x0  }
0xa: {  	_ =	strace $0x8000004A;
	s4 =	simm.s32 $0x1;
	s5 =	sadd.s32 s5, s7  }
0xb: {  	s10 =	smov.u32 s2;
	[sflag:s4] =	ssyncpa.u1 $0x0;
	s5 =	sshll.u32 s5, $0x5  }
0xc: {  	[sflag:s31] =	ssyncpa.u1 $0x0;
	p0 =	por $0x0, $0x0;
	s7 =	sor.u32 $0x1, s5  }
.LBB1_4:
0xd: {  	s16 =	sshll.u32 s13, $0x3;
	s17 =	sand.u32 $0x78, s13  }
0xe: {  	s30 =	sand.u32 $0xFC00, s13;
	s12 =	sshll.u32 s12, $0x10;
	s16 =	sand.u32 $0x1C00, s16  }
0xf: {  	[tilespmem:s15+$0x810 ss:$0x81] =	vst.msk $0xffff, v2;
	s31 =	sand.u32 $0x7, s13;
	s16 =	sor.u32 s17, s16;
	s17 =	sadd.s32 s3, s30  }
0x10: {  	[tilespmem:s15+$0x1020 ss:$0x81] =	vst.msk $0xffff, v0;
	s13 =	sshll.u32 s31, $0x12;
	s12 =	sadd.s32 s12, s17;
	s16 =	sshrl.u32 s16, $0x3  }
0x11: {  	[tilespmem:s15+$0x0 ss:$0x81] =	vst.msk $0xffff, v1;
	s13 =	sor.u32 $0x400, s13;
	s12 =	sadd.s32 s16, s12  }
0x12: {  	[hbm4b:s12+s13] =	stream.strided.scatter [tilespmem:s14], [sflag:$0x2], $0x2000, s8, s13, $0x20;
	[tilespmem:$0x8080] =	vst v63  }
.LBB1_5:
0x13: {  	s14 =	sadd.s32 $0x1, s9  }
0x14: {  	s12 =	sadd.s32 $0x1000, s10;
	s16 =	smov.u32 s10;
	p2 =	sgt.s32 s14, $0x1F  }
0x15: {  	s16 =	smov.u32 @p2 s12  }
0x16: {  	s14 =	simm.s32 @p2 $0x0;
	p2 =	sgt.s32 s16, $0x1FFF  }
0x17: {  	s16 =	smov.u32 @p2 s2;
	p2 =	sne.s32 s11, s7  }
.Ltmp1:
0x18: {  	p1 =	slt.u32 s11, $0x2;
	(pc) =	sbr.rel @!p2 .LBB1_6-.Ltmp1, $4  }
0x19: {  	s15 =	simm.s32 @!p1 $0x2  }
0x1a: {  	s13 =	smov.u32 s10;
	p0 =	por !p0, !p0;
	_ =	swait.ge @!p1 [sflag:s15], $0x2000  }
0x1b: {  	s12 =	smov.u32 s9;
	[sflag:s15] =	ssyncset.done @!p1 $0x0;
	s9 =	smov.u32 s14  }
0x1c: {  	s11 =	sadd.s32 $0x1, s11;
	[sflag:s15] =	ssyncadd.s32 @!p1 $0xFFFFE000;
	s10 =	smov.u32 s16  }
.LBB1_1:
0x1d: {  	p1 =	sge.u32 s11, s5  }
0x1e: {  	s31 =	sadd.s32 $0xFFFFFFFF, s11;
	s14 =	sxor.u32 @!p1 $0xFFFFFFFF, s11  }
0x1f: {  	s15 =	sshll.u32 @!p1 s10, $0x9;
	s16 =	sshll.u32 @!p1 s9, $0x4;
	s17 =	simm.s32 @!p1 $0x1000  }
0x20: {  	s14 =	sshll.u32 @!p1 s14, $0xD;
	s16 =	sand.u32 @!p1 $0x1F0, s16;
	s15 =	sadd.s32 @!p1 s6, s15  }
0x21: {  	s14 =	sand.u32 @!p1 $0x2000, s14;
	s15 =	sadd.s32 @!p1 s16, s15;
	s16 =	simm.s32 @!p1 $0x40  }
0x22: {  	[tilespmem:s14], [sflag:$0x1] =	stream.strided.gather @!p1 [hbm4b:s15+s16], $0x2000, s17, s16, $0x38;
	[tilespmem:$0x8080] =	vst v63  }
0x23: {  	p1 =	sge.u32 s31, s5  }
.Ltmp2:
0x24: {  	_ = 	snop;
	(pc) =	sbr.rel @p1 .LBB1_5-.Ltmp2, $1  }
0x25: {  	_ =	sdelay $0x3  }
0x26: {  	s14 =	simm.s32 $0x1  }
0x27: {  	_ =	swait.ge [sflag:s4], $0x2000;
	s14 =	simm.s32 @!p0 $0x0  }
0x28: {  	[sflag:s4] =	ssyncset.done $0x0;
	s15 =	sshll.u32 s14, $0xD  }
0x29: {  	[sflag:s4] =	ssyncadd.s32 $0xFFFFE000;
	s18 =	sor.u32 $0x20, s15  }
0x2a: {  	s14 =	smul.u32 $0x8100, s14;
	v3 =	vld [tilespmem:s18+$0x10]  }
0x2b: {  	s30 =	sand.u32 $0x1, s11;
	v2 =	vld [tilespmem:s18+$0xFFFFFFF0]  }
0x2c: {  	s15 =	smul.u32 $0x8100, s30;
	s14 =	sshrl.u32 s14, $0x2;
	v0 =	vld [tilespmem:s18+$0x0]  }
0x2d: {  	v1 =	vld [tilespmem:s18+$0xFFFFFFE0];
	s16 =	sor.u32 $0x4000, s14  }
0x2e: {  	s31 =	sshrl.u32 s15, $0x2;
	s15 =	sadd.s32 $0x0, s16  }
0x2f: {  	s17 =	simm.s32 $0x4;
	s18 =	sadd.s32 $0x40, s18;
	s14 =	sor.u32 $0x4000, s31;
	[tilespmem:s15+$0x1830 ss:$0x81] =	vst.msk $0xffff, v3  }
.LBB1_3:
0x30: {  	v3 =	vld [tilespmem:s18+$0x10];
	p1 =	sne.s32 s17, $0x1FC;
	[tilespmem:s15+$0x810 ss:$0x81] =	vst.msk $0xffff, v2;
	s19 =	smov.u32 s17;
	s17 =	sadd.s32 $0x4, s17  }
.Ltmp3:
0x31: {  	v2 =	vld [tilespmem:s18+$0xFFFFFFF0];
	[tilespmem:s15+$0x1020 ss:$0x81] =	vst.msk $0xffff, v0;
	(pc) =	sbr.rel @p1 .LBB1_3-.Ltmp3, $4  }
0x32: {  	v0 =	vld [tilespmem:s18+$0x0];
	[tilespmem:s15+$0x0 ss:$0x81] =	vst.msk $0xffff, v1  }
0x33: {  	s15 =	sshra.s32 s19, $0x2;
	v1 =	vld [tilespmem:s18+$0xFFFFFFE0]  }
0x34: {  	s15 =	sadd.s32 s15, s16  }
0x35: {  	s18 =	sadd.s32 $0x40, s18;
	[tilespmem:s15+$0x1830 ss:$0x81] =	vst.msk $0xffff, v3  }
.Ltmp4:
0x36: {  	_ = 	snop;
	(pc) =	sbr.rel .LBB1_4-.Ltmp4, $1  }
0x37: {  	_ =	sdelay $0x3  }
.LBB1_6:
0x38: {  	_ =	sfence.sel $0x180000  }
0x39: {  	s2 =	simm.s32 $0x1;
	[bflag:$0x0] =	sbarrier.arrive $0xFFFF  }
0x3a: {  	s31 =	simm.s32 $0x2;
	[sflag:s2] =	ssyncpa.u1 $0x1  }
0x3b: {  	[sflag:s31] =	ssyncpa.u1 $0x1  }
0x3c: {  	p0 =	sne.s32 s0, $0x0;
	_ =	strace $0x9000004A  }
0x3d: {  	s0 =	sadd.s32 @!p0 $0x100000, s1;
	[bflag:$0x2] =	sbarrier.arrive $0xFFFF  }
0x3e: {  	[sflag:s0] =	ssyncadd.tile.s32 @!p0 $0x1;
	_ =	shalt  }
.Lfunc_end1:
_tile_overlayer_lowered:
.L_overlay_start_2:
0x3f: {  	(tag) =	ssettag $0x2  }
0x40: {  	s0 =	rddreg [dreg:$0x0];
	s2 =	stileid.u32  }
0x41: {  	s1 =	rddreg [dreg:$0x1];
	p0 =	sne.s32 s2, $0x0  }
0x42: {  	s3 =	rddreg [dreg:$0x2];
	[bflag:$0x3] =	sbarrier.arrive $0xFFFF;
	s2 =	simm.s32 @!p0 $0x1C01  }
0x43: {  	[timem:s3], [sflag:s2] =	dma.local @!p0 [hbm:s0], s1  }
0x44: {  	s0 =	simm.s32 @!p0 $0x1  }
0x45: {  	_ =	swait.ge @!p0 [sflag:s0], s1  }
0x46: {  	s1 =	ssub.s32 @!p0 $0x0, s1;
	[sflag:s0] =	ssyncset.done @!p0 $0x0  }
0x47: {  	[sflag:s0] =	ssyncadd.s32 @!p0 s1  }
0x48: {  	[bflag:$0x3] =	sbarrier.arrive $0xFFFF  }
0x49: {  	_ =	shalt  }

</sc_bundles>
